<compile_context>
chip_gen: v7x
topology: tpu7x:2x2x1
jax: 0.10.2.dev20260603
libtpu: 0.0.44.dev20260713+nightly
codegen_flags: <defaults>
</compile_context>

<pallas_src>
import jax
import jax.numpy as jnp
from jax import lax
from jax.experimental import pallas as pl
from jax.experimental.pallas import tpu as pltpu
from jax.experimental.pallas import tpu_sc as plsc

N = 10000
NP = 10240
E = 320000
DIN = 128
DH = 256
HALF = 128
DOUT = 64
G = 128
NTILES = 16
CHUNK = 128
CPT = 160
IBLK = 16
EPAD = NTILES * CPT * CHUNK
EROWS = EPAD // CHUNK
BN = 400
NBLK = N // BN
RPT = NP // NTILES



def _sc_mesh():
    return plsc.VectorSubcoreMesh(core_axis_name="c", subcore_axis_name="s")


def _deg_body(dst2_ref, degw_ref, dstbuf, valbuf, acc, sem):
    c = lax.axis_index("c")
    s = lax.axis_index("s")
    del sem
    zero16 = jnp.zeros((16,), jnp.float32)
    one16 = jnp.ones((16,), jnp.float32)

    def fill_zero(i, carry):
        valbuf[i, :] = zero16
        return carry

    lax.fori_loop(0, CHUNK, fill_zero, 0)
    for k in range(RPT // CHUNK):
        pltpu.sync_copy(valbuf, acc.at[pl.ds(s * RPT + k * CHUNK, CHUNK)])

    def fill_one(i, carry):
        valbuf[i, :] = one16
        return carry

    lax.fori_loop(0, CHUNK, fill_one, 0)
    pltpu.sync_copy(dst2_ref.at[pl.ds(s * CPT, CPT)], dstbuf)
    plsc.subcore_barrier()

    def step(i, carry):
        pltpu.sync_copy(valbuf, acc.at[dstbuf.at[i]], add=True)
        return carry

    lax.fori_loop(0, CPT, step, 0)
    plsc.subcore_barrier()

    @pl.when(c == 0)
    def _():
        pltpu.sync_copy(acc.at[pl.ds(s * RPT, RPT)],
                        degw_ref.at[pl.ds(s * RPT, RPT)])


@jax.jit
def _deg_call(dst2):
    return pl.kernel(
        _deg_body,
        out_type=jax.ShapeDtypeStruct((NP, 16), jnp.float32),
        mesh=_sc_mesh(),
        scratch_types=[
            pltpu.VMEM((CPT, CHUNK), jnp.int32),
            pltpu.VMEM((CHUNK, 16), jnp.float32),
            pltpu.VMEM_SHARED((NP, 16), jnp.float32),
            pltpu.SemaphoreType.DMA,
        ],
    )(dst2)


def _mp_body(hp_ref, src2_ref, dst2_ref, out_ref, srcbuf, dstbuf, rows0,
             rows1, acc, sem0, sem1):
    c = lax.axis_index("c")
    s = lax.axis_index("s")
    zero16 = jnp.zeros((16,), jnp.float32)

    def fill_zero(i, carry):
        for j in range(HALF // 16):
            rows0[i, pl.ds(j * 16, 16)] = zero16
        return carry

    lax.fori_loop(0, CHUNK, fill_zero, 0)
    for k in range(RPT // CHUNK):
        pltpu.sync_copy(rows0, acc.at[pl.ds(s * RPT + k * CHUNK, CHUNK)])

    plsc.subcore_barrier()
    off = c * NP

    def block(bi, carry):
        base = s * CPT + bi * IBLK
        pltpu.sync_copy(src2_ref.at[pl.ds(base, IBLK)], srcbuf)
        pltpu.sync_copy(dst2_ref.at[pl.ds(base, IBLK)], dstbuf)

        def bias(i, carry2):
            for j in range(CHUNK // 16):
                srcbuf[i, pl.ds(j * 16, 16)] = (
                    srcbuf[i, pl.ds(j * 16, 16)] + off)
            return carry2

        lax.fori_loop(0, IBLK, bias, 0)

        rows = (rows0, rows1)
        sems = (sem0, sem1)
        descs = [None, None]
        descs[0] = pltpu.async_copy(hp_ref.at[srcbuf.at[0]], rows0, sem0)
        for i in range(IBLK):
            if i + 1 < IBLK:
                descs[(i + 1) % 2] = pltpu.async_copy(
                    hp_ref.at[srcbuf.at[i + 1]], rows[(i + 1) % 2],
                    sems[(i + 1) % 2])
            descs[i % 2].wait()
            pltpu.sync_copy(rows[i % 2], acc.at[dstbuf.at[i]], add=True)
        return carry

    lax.fori_loop(0, CPT // IBLK, block, 0)
    plsc.subcore_barrier()
    pltpu.sync_copy(acc.at[pl.ds(s * RPT, RPT)],
                    out_ref.at[c, pl.ds(s * RPT, RPT)])


@jax.jit
def _mp_call(hp2d, src2, dst2):
    return pl.kernel(
        _mp_body,
        out_type=jax.ShapeDtypeStruct((2, NP, HALF), jnp.float32),
        mesh=_sc_mesh(),
        scratch_types=[
            pltpu.VMEM((IBLK, CHUNK), jnp.int32),
            pltpu.VMEM((IBLK, CHUNK), jnp.int32),
            pltpu.VMEM((CHUNK, HALF), jnp.float32),
            pltpu.VMEM((CHUNK, HALF), jnp.float32),
            pltpu.VMEM_SHARED((NP, HALF), jnp.float32),
            pltpu.SemaphoreType.DMA,
            pltpu.SemaphoreType.DMA,
        ],
    )(hp2d, src2, dst2)



def _dinv(dg):
    return lax.rsqrt(dg[:, 0:1] + 1.0)


def _stage0_body(x_ref, w_ref, dg_ref, o_ref):
    dinv = _dinv(dg_ref[...])
    h = jnp.dot(x_ref[...], w_ref[...], preferred_element_type=jnp.float32)
    o_ref[0] = dinv * h


@jax.jit
def _stage0(x, w0, degw):
    return pl.pallas_call(
        _stage0_body,
        grid=(NBLK, 2),
        in_specs=[
            pl.BlockSpec((BN, DIN), lambda i, c: (i, 0)),
            pl.BlockSpec((DIN, HALF), lambda i, c: (0, c)),
            pl.BlockSpec((BN, 16), lambda i, c: (i, 0)),
        ],
        out_specs=pl.BlockSpec((1, BN, HALF), lambda i, c: (c, i, 0)),
        out_shape=jax.ShapeDtypeStruct((2, NP, HALF), jnp.float32),
    )(x, w0, degw)


def _z_halves(s0_ref, s1_ref, h0_ref, h1_ref, dg_ref, b_ref):
    dinv = _dinv(dg_ref[...])
    b = b_ref[...]
    z0 = dinv * (s0_ref[0] + h0_ref[0]) + b[0:1, :]
    z1 = dinv * (s1_ref[0] + h1_ref[0]) + b[1:2, :]
    return z0, z1, dinv


def _stats_body(s0_ref, s1_ref, h0_ref, h1_ref, dg_ref, b_ref, ssum_ref,
                ssq_ref):
    i = pl.program_id(0)
    z0, z1, _ = _z_halves(s0_ref, s1_ref, h0_ref, h1_ref, dg_ref, b_ref)

    @pl.when(i == 0)
    def _():
        ssum_ref[...] = jnp.zeros_like(ssum_ref)
        ssq_ref[...] = jnp.zeros_like(ssq_ref)

    ssum_ref[0:1, :] += jnp.sum(z0, axis=0, keepdims=True)
    ssum_ref[1:2, :] += jnp.sum(z1, axis=0, keepdims=True)
    ssq_ref[0:1, :] += jnp.sum(z0 * z0, axis=0, keepdims=True)
    ssq_ref[1:2, :] += jnp.sum(z1 * z1, axis=0, keepdims=True)


def _stats_specs():
    return [
        pl.BlockSpec((1, BN, HALF), lambda i, *_: (0, i, 0)),
        pl.BlockSpec((1, BN, HALF), lambda i, *_: (1, i, 0)),
        pl.BlockSpec((1, BN, HALF), lambda i, *_: (0, i, 0)),
        pl.BlockSpec((1, BN, HALF), lambda i, *_: (1, i, 0)),
        pl.BlockSpec((BN, 16), lambda i, *_: (i, 0)),
        pl.BlockSpec((2, HALF), lambda i, *_: (0, 0)),
    ]


@jax.jit
def _stats(s3, hp, degw, b2):
    return pl.pallas_call(
        _stats_body,
        grid=(NBLK,),
        in_specs=_stats_specs(),
        out_specs=[
            pl.BlockSpec((2, HALF), lambda i: (0, 0)),
            pl.BlockSpec((2, HALF), lambda i: (0, 0)),
        ],
        out_shape=[
            jax.ShapeDtypeStruct((2, HALF), jnp.float32),
            jax.ShapeDtypeStruct((2, HALF), jnp.float32),
        ],
    )(s3, s3, hp, hp, degw, b2)


def _bn_relu(z0, z1, g, be, ssum, ssq):
    mu = ssum * (1.0 / N)
    var = ssq * (1.0 / N) - mu * mu
    isd = lax.rsqrt(var + 1e-5) * g
    y0 = jnp.maximum((z0 - mu[0:1, :]) * isd[0:1, :] + be[0:1, :], 0.0)
    y1 = jnp.maximum((z1 - mu[1:2, :]) * isd[1:2, :] + be[1:2, :], 0.0)
    return y0, y1


def _apply_body(s0_ref, s1_ref, h0_ref, h1_ref, dg_ref, b_ref, g_ref, be_ref,
                ssum_ref, ssq_ref, wa_ref, wb_ref, o_ref):
    z0, z1, dinv = _z_halves(s0_ref, s1_ref, h0_ref, h1_ref, dg_ref, b_ref)
    y0, y1 = _bn_relu(z0, z1, g_ref[...], be_ref[...], ssum_ref[...],
                      ssq_ref[...])
    acc = jnp.dot(y0, wa_ref[0, 0], preferred_element_type=jnp.float32)
    acc += jnp.dot(y1, wb_ref[0, 0], preferred_element_type=jnp.float32)
    o_ref[0] = dinv * acc


@jax.jit
def _apply(s3, hp, degw, b2, g2, be2, ssum, ssq, w4):
    specs = [
        pl.BlockSpec((1, BN, HALF), lambda i, c: (0, i, 0)),
        pl.BlockSpec((1, BN, HALF), lambda i, c: (1, i, 0)),
        pl.BlockSpec((1, BN, HALF), lambda i, c: (0, i, 0)),
        pl.BlockSpec((1, BN, HALF), lambda i, c: (1, i, 0)),
        pl.BlockSpec((BN, 16), lambda i, c: (i, 0)),
        pl.BlockSpec((2, HALF), lambda i, c: (0, 0)),
        pl.BlockSpec((2, HALF), lambda i, c: (0, 0)),
        pl.BlockSpec((2, HALF), lambda i, c: (0, 0)),
        pl.BlockSpec((2, HALF), lambda i, c: (0, 0)),
        pl.BlockSpec((2, HALF), lambda i, c: (0, 0)),
        pl.BlockSpec((1, 1, HALF, HALF), lambda i, c: (0, c, 0, 0)),
        pl.BlockSpec((1, 1, HALF, HALF), lambda i, c: (1, c, 0, 0)),
    ]
    return pl.pallas_call(
        _apply_body,
        grid=(NBLK, 2),
        in_specs=specs,
        out_specs=pl.BlockSpec((1, BN, HALF), lambda i, c: (c, i, 0)),
        out_shape=jax.ShapeDtypeStruct((2, NP, HALF), jnp.float32),
    )(s3, s3, hp, hp, degw, b2, g2, be2, ssum, ssq, w4, w4)


def _pool_body(s0_ref, s1_ref, h0_ref, h1_ref, dg_ref, b_ref, g_ref, be_ref,
               ssum_ref, ssq_ref, bat_ref, psum_ref, cnt_ref):
    i = pl.program_id(0)
    z0, z1, _ = _z_halves(s0_ref, s1_ref, h0_ref, h1_ref, dg_ref, b_ref)
    y0, y1 = _bn_relu(z0, z1, g_ref[...], be_ref[...], ssum_ref[...],
                      ssq_ref[...])
    bb = bat_ref[0]
    gi = lax.broadcasted_iota(jnp.int32, (G, BN), 0)
    oh = (gi == bb).astype(jnp.float32)

    @pl.when(i == 0)
    def _():
        psum_ref[...] = jnp.zeros_like(psum_ref)
        cnt_ref[...] = jnp.zeros_like(cnt_ref)

    psum_ref[0] += jnp.dot(oh, y0, preferred_element_type=jnp.float32)
    psum_ref[1] += jnp.dot(oh, y1, preferred_element_type=jnp.float32)
    cnt_ref[...] += jnp.dot(oh, jnp.ones((BN, HALF), jnp.float32),
                            preferred_element_type=jnp.float32)


@jax.jit
def _pool(s3, hp, degw, b2, g2, be2, ssum, ssq, bat3):
    specs = _stats_specs() + [
        pl.BlockSpec((2, HALF), lambda i, *_: (0, 0)),
        pl.BlockSpec((2, HALF), lambda i, *_: (0, 0)),
        pl.BlockSpec((2, HALF), lambda i, *_: (0, 0)),
        pl.BlockSpec((2, HALF), lambda i, *_: (0, 0)),
        pl.BlockSpec((1, 1, BN), lambda i, *_: (i, 0, 0)),
    ]
    return pl.pallas_call(
        _pool_body,
        grid=(NBLK,),
        in_specs=specs,
        out_specs=[
            pl.BlockSpec((2, G, HALF), lambda i: (0, 0, 0)),
            pl.BlockSpec((G, HALF), lambda i: (0, 0)),
        ],
        out_shape=[
            jax.ShapeDtypeStruct((2, G, HALF), jnp.float32),
            jax.ShapeDtypeStruct((G, HALF), jnp.float32),
        ],
    )(s3, s3, hp, hp, degw, b2, g2, be2, ssum, ssq, bat3)


def _head_body(psum_ref, cnt_ref, w1a_ref, w1b_ref, b1_ref, w2_ref, b2_ref,
               o_ref):
    cnt = jnp.maximum(cnt_ref[:, 0:1], 1.0)
    p0 = psum_ref[0] / cnt
    p1 = psum_ref[1] / cnt
    t = jnp.dot(p0, w1a_ref[0], preferred_element_type=jnp.float32)
    t += jnp.dot(p1, w1b_ref[0], preferred_element_type=jnp.float32)
    t = jnp.maximum(t + b1_ref[...], 0.0)
    o_ref[...] = jnp.dot(t, w2_ref[...],
                         preferred_element_type=jnp.float32) + b2_ref[...]


@jax.jit
def _head(psum, cnt, fw1, fb1, fw2, fb2):
    return pl.pallas_call(
        _head_body,
        grid=(1,),
        in_specs=[
            pl.BlockSpec((2, G, HALF), lambda i: (0, 0, 0)),
            pl.BlockSpec((G, HALF), lambda i: (0, 0)),
            pl.BlockSpec((1, HALF, DH), lambda i: (0, 0, 0)),
            pl.BlockSpec((1, HALF, DH), lambda i: (1, 0, 0)),
            pl.BlockSpec((1, DH), lambda i: (0, 0)),
            pl.BlockSpec((DH, DOUT), lambda i: (0, 0)),
            pl.BlockSpec((1, DOUT), lambda i: (0, 0)),
        ],
        out_specs=pl.BlockSpec((G, DOUT), lambda i: (0, 0)),
        out_shape=jax.ShapeDtypeStruct((G, DOUT), jnp.float32),
    )(psum, cnt, fw1, fw1, fb1, fw2, fb2)



def kernel(x, edge_index, batch, W0, b0, W1, b1, W2, b2, g0, be0, g1, be1,
           g2, be2, fc1_W, fc1_b, fc2_W, fc2_b):
    src = edge_index[0]
    dst = edge_index[1]
    pad = EPAD - E
    src2 = jnp.concatenate([src, jnp.zeros((pad,), jnp.int32)]).reshape(
        EROWS, CHUNK)
    dst2 = jnp.concatenate([dst, jnp.full((pad,), N, jnp.int32)]).reshape(
        EROWS, CHUNK)
    bat3 = batch.reshape(NBLK, 1, BN)

    degw = _deg_call(dst2)
    hp = _stage0(x, W0, degw)

    layers = [
        (b0, g0, be0, W1),
        (b1, g1, be1, W2),
        (b2, g2, be2, None),
    ]
    psum = cnt = None
    for b, g, be, wn in layers:
        b2_ = b.reshape(2, HALF)
        g2_ = g.reshape(2, HALF)
        be2_ = be.reshape(2, HALF)
        s3 = _mp_call(hp.reshape(2 * NP, HALF), src2, dst2)
        ssum, ssq = _stats(s3, hp, degw, b2_)
        if wn is not None:
            w4 = wn.reshape(2, HALF, 2, HALF).transpose(0, 2, 1, 3)
            hp = _apply(s3, hp, degw, b2_, g2_, be2_, ssum, ssq, w4)
        else:
            psum, cnt = _pool(s3, hp, degw, b2_, g2_, be2_, ssum, ssq, bat3)

    return _head(psum, cnt, fc1_W.reshape(2, HALF, DH), fc1_b.reshape(1, DH),
                 fc2_W, fc2_b.reshape(1, DOUT))

# --- scband reference (transcript-rebuilt; emitter-appended) ---
"""Pipeline reference for scband-norm-gnn-57234734186914 (READ-ONLY COPY).

The authoritative reference and input builder live on the scoring server;
editing this copy changes nothing except your own understanding.
"""

import jax, jax.numpy as jnp
import numpy as np

N = 10000
E = 320000
DIN = 128
DH = 256
DOUT = 64
G = 128


def _gcn_conv(x, src, dst, W, b):
    n = x.shape[0]
    loop = jnp.arange(n, dtype=src.dtype)
    s = jnp.concatenate([src, loop])
    d = jnp.concatenate([dst, loop])
    deg = jnp.zeros((n,), dtype=x.dtype).at[d].add(1.0)
    dinv = jnp.where(deg > 0, jax.lax.rsqrt(jnp.maximum(deg, 1e-12)), 0.0)
    norm = dinv[s] * dinv[d]
    h = x @ W
    msg = h[s] * norm[:, None]
    out = jnp.zeros((n, W.shape[1]), dtype=x.dtype).at[d].add(msg)
    return out + b


def _bn(x, gamma, beta, eps=1e-5):
    mean = jnp.mean(x, axis=0)
    var = jnp.var(x, axis=0)
    return (x - mean) * jax.lax.rsqrt(var + eps) * gamma + beta


def setup_inputs(seed: int = 0):
    key = jax.random.key(seed)
    ks = jax.random.split(key, 12)
    inp = {}
    inp["x"] = jax.random.normal(ks[0], (N, DIN), dtype=jnp.float32)
    inp["edge_index"] = jax.random.randint(ks[1], (2, E), 0, N, dtype=jnp.int32)
    inp["batch"] = jnp.sort(jax.random.randint(ks[2], (N,), 0, G, dtype=jnp.int32))
    inp["W0"] = jax.random.normal(ks[3], (DIN, DH), dtype=jnp.float32) * 0.05
    inp["b0"] = jnp.zeros((DH,), dtype=jnp.float32)
    inp["W1"] = jax.random.normal(ks[4], (DH, DH), dtype=jnp.float32) * 0.05
    inp["b1"] = jnp.zeros((DH,), dtype=jnp.float32)
    inp["W2"] = jax.random.normal(ks[5], (DH, DH), dtype=jnp.float32) * 0.05
    inp["b2"] = jnp.zeros((DH,), dtype=jnp.float32)
    inp["g0"] = jnp.ones((DH,), dtype=jnp.float32)
    inp["be0"] = jnp.zeros((DH,), dtype=jnp.float32)
    inp["g1"] = jnp.ones((DH,), dtype=jnp.float32)
    inp["be1"] = jnp.zeros((DH,), dtype=jnp.float32)
    inp["g2"] = jnp.ones((DH,), dtype=jnp.float32)
    inp["be2"] = jnp.zeros((DH,), dtype=jnp.float32)
    inp["fc1_W"] = jax.random.normal(ks[6], (DH, DH), dtype=jnp.float32) * 0.05
    inp["fc1_b"] = jnp.zeros((DH,), dtype=jnp.float32)
    inp["fc2_W"] = jax.random.normal(ks[7], (DH, DOUT), dtype=jnp.float32) * 0.05
    inp["fc2_b"] = jnp.zeros((DOUT,), dtype=jnp.float32)
    return inp


def reference(x, edge_index, batch, W0, b0, W1, b1, W2, b2, g0, be0, g1, be1, g2, be2, fc1_W, fc1_b, fc2_W, fc2_b):
    src, dst = edge_index[0], edge_index[1]
    layers = [(W0, b0, g0, be0), (W1, b1, g1, be1), (W2, b2, g2, be2)]
    h = x
    for W, b, g, be in layers:
        h = _gcn_conv(h, src, dst, W, b)
        h = _bn(h, g, be)
        h = jax.nn.relu(h)
        # dropout is identity in eval mode
    sums = jax.ops.segment_sum(h, batch, num_segments=G)
    cnt = jax.ops.segment_sum(jnp.ones((h.shape[0],), dtype=h.dtype), batch, num_segments=G)
    pooled = sums / jnp.clip(cnt, 1.0)[:, None]
    out = jax.nn.relu(pooled @ fc1_W + fc1_b)
    out = out @ fc2_W + fc2_b
    return out

if __name__ == "__main__":
    import jax
    _d = setup_inputs()
    print(jax.jit(kernel)(*tuple(_d.values())))

</pallas_src>

<mosaic_0001>
#map = affine_map<(d0, d1) -> (0, 0)>
module attributes {stable_mosaic.version = 14 : i64} {
  func.func @_deg_body(%arg0: i32, %arg1: i32, %arg2: memref<2560x128xi32, #tpu.memory_space<hbm>>, %arg3: memref<10240x16xf32, #tpu.memory_space<hbm>>, %arg4: memref<160x128xi32, #tpu.memory_space<vmem>>, %arg5: memref<128x16xf32, #tpu.memory_space<vmem>>, %arg6: memref<10240x16xf32, #tpu.memory_space<vmem_shared>>, %arg7: memref<!tpu.dma_semaphore, #tpu.memory_space<semaphore_mem>>) attributes {dimension_semantics = [#tpu.dimension_semantics<core_parallel>, #tpu.dimension_semantics<subcore_parallel>], iteration_bounds = array<i64: 2, 16>, scalar_prefetch = 0 : i64, scratch_operands = 4 : i64, tpu.core_type = #tpu.core_type<sc_vector_subcore>, window_params = [{transform_indices = #map}, {transform_indices = #map}]} {
    %broadcast_in_dim3A = arith.constant 0.000000e+00 : f32
    %broadcast_in_dim3A_0 = vector.broadcast %broadcast_in_dim3A : f32 to vector<16xf32>
    %broadcast_in_dim3A_1 = arith.constant 1.000000e+00 : f32
    %broadcast_in_dim3A_2 = vector.broadcast %broadcast_in_dim3A_1 : f32 to vector<16xf32>
    %scan3A = arith.constant 0 : i32
    %scan3A_3 = arith.constant 0 : i32
    %scan3A_4 = arith.constant 128 : i32
    %scan3A_5 = arith.addi %scan3A_3, %scan3A_4 : i32
    %scan3A_6 = arith.constant 1 : i32
    scf.for %scan3A_43 = %scan3A_3 to %scan3A_5 step %scan3A_6  : i32 {
      %swap3A = arith.index_cast %scan3A_43 : i32 to index
      %swap3A_44 = arith.constant 0 : index
      %swap3A_45 = tpu.vector_load %arg5[%swap3A, %swap3A_44] {strides = array<i32>} : memref<128x16xf32, #tpu.memory_space<vmem>>, vector<1x16xf32>,
      %swap3A_46 = vector.shape_cast %swap3A_45 : vector<1x16xf32> to vector<16xf32>
      %swap3A_47 = vector.shape_cast %broadcast_in_dim3A_0 : vector<16xf32> to vector<1x16xf32>
      tpu.vector_store %arg5[%swap3A, %swap3A_44], %swap3A_47 {strides = array<i32>} : memref<128x16xf32, #tpu.memory_space<vmem>>, vector<1x16xf32>,
    }
    %scan3A_7 = arith.constant 128 : i32
    %mul3A = arith.constant 640 : i32
    %mul3A_8 = arith.muli %arg1, %mul3A : i32
    %add3A = arith.constant 0 : i32
    %add3A_9 = arith.addi %mul3A_8, %add3A : i32
    "tpu.region"() ({
      %run_scoped3A = tpu.sem_alloc : memref<!tpu.dma_semaphore, #tpu.memory_space<semaphore_mem>>
      %dma_start3A = arith.constant 0 : i32
      %dma_start3A_43 = tpu.memref_slice %arg6[%add3A_9, %dma_start3A] : memref<10240x16xf32, #tpu.memory_space<vmem_shared>> -> memref<128x16xf32, #tpu.memory_space<vmem_shared>>
      %dma_start3A_44 = arith.constant 0 : i32
      %dma_start3A_45 = tpu.memref_slice %arg6[%add3A_9, %dma_start3A_44] : memref<10240x16xf32, #tpu.memory_space<vmem_shared>> -> memref<128x16xf32, #tpu.memory_space<vmem_shared>>
      tpu.enqueue_dma source(%arg5 : memref<128x16xf32, #tpu.memory_space<vmem>>) target(%dma_start3A_45 : memref<128x16xf32, #tpu.memory_space<vmem_shared>>) target_semaphore(%run_scoped3A : memref<!tpu.dma_semaphore, #tpu.memory_space<semaphore_mem>>)
      %dma_wait3A = arith.constant 0 : i32
      %dma_wait3A_46 = tpu.memref_slice %arg6[%add3A_9, %dma_wait3A] : memref<10240x16xf32, #tpu.memory_space<vmem_shared>> -> memref<128x16xf32, #tpu.memory_space<vmem_shared>>
      %dma_wait3A_47 = arith.constant 0 : i32
      %dma_wait3A_48 = tpu.memref_slice %arg6[%add3A_9, %dma_wait3A_47] : memref<10240x16xf32, #tpu.memory_space<vmem_shared>> -> memref<128x16xf32, #tpu.memory_space<vmem_shared>>
      tpu.wait_dma2 semaphore(%run_scoped3A : memref<!tpu.dma_semaphore, #tpu.memory_space<semaphore_mem>>) src(%arg5 : memref<128x16xf32, #tpu.memory_space<vmem>>) dst(%dma_wait3A_48 : memref<128x16xf32, #tpu.memory_space<vmem_shared>>)
      tpu.yield
    }) : () -> ()
    %mul3A_10 = arith.constant 640 : i32
    %mul3A_11 = arith.muli %arg1, %mul3A_10 : i32
    %add3A_12 = arith.constant 128 : i32
    %add3A_13 = arith.addi %mul3A_11, %add3A_12 : i32
    "tpu.region"() ({
      %run_scoped3A = tpu.sem_alloc : memref<!tpu.dma_semaphore, #tpu.memory_space<semaphore_mem>>
      %dma_start3A = arith.constant 0 : i32
      %dma_start3A_43 = tpu.memref_slice %arg6[%add3A_13, %dma_start3A] : memref<10240x16xf32, #tpu.memory_space<vmem_shared>> -> memref<128x16xf32, #tpu.memory_space<vmem_shared>>
      %dma_start3A_44 = arith.constant 0 : i32
      %dma_start3A_45 = tpu.memref_slice %arg6[%add3A_13, %dma_start3A_44] : memref<10240x16xf32, #tpu.memory_space<vmem_shared>> -> memref<128x16xf32, #tpu.memory_space<vmem_shared>>
      tpu.enqueue_dma source(%arg5 : memref<128x16xf32, #tpu.memory_space<vmem>>) target(%dma_start3A_45 : memref<128x16xf32, #tpu.memory_space<vmem_shared>>) target_semaphore(%run_scoped3A : memref<!tpu.dma_semaphore, #tpu.memory_space<semaphore_mem>>)
      %dma_wait3A = arith.constant 0 : i32
      %dma_wait3A_46 = tpu.memref_slice %arg6[%add3A_13, %dma_wait3A] : memref<10240x16xf32, #tpu.memory_space<vmem_shared>> -> memref<128x16xf32, #tpu.memory_space<vmem_shared>>
      %dma_wait3A_47 = arith.constant 0 : i32
      %dma_wait3A_48 = tpu.memref_slice %arg6[%add3A_13, %dma_wait3A_47] : memref<10240x16xf32, #tpu.memory_space<vmem_shared>> -> memref<128x16xf32, #tpu.memory_space<vmem_shared>>
      tpu.wait_dma2 semaphore(%run_scoped3A : memref<!tpu.dma_semaphore, #tpu.memory_space<semaphore_mem>>) src(%arg5 : memref<128x16xf32, #tpu.memory_space<vmem>>) dst(%dma_wait3A_48 : memref<128x16xf32, #tpu.memory_space<vmem_shared>>)
      tpu.yield
    }) : () -> ()
    %mul3A_14 = arith.constant 640 : i32
    %mul3A_15 = arith.muli %arg1, %mul3A_14 : i32
    %add3A_16 = arith.constant 256 : i32
    %add3A_17 = arith.addi %mul3A_15, %add3A_16 : i32
    "tpu.region"() ({
      %run_scoped3A = tpu.sem_alloc : memref<!tpu.dma_semaphore, #tpu.memory_space<semaphore_mem>>
      %dma_start3A = arith.constant 0 : i32
      %dma_start3A_43 = tpu.memref_slice %arg6[%add3A_17, %dma_start3A] : memref<10240x16xf32, #tpu.memory_space<vmem_shared>> -> memref<128x16xf32, #tpu.memory_space<vmem_shared>>
      %dma_start3A_44 = arith.constant 0 : i32
      %dma_start3A_45 = tpu.memref_slice %arg6[%add3A_17, %dma_start3A_44] : memref<10240x16xf32, #tpu.memory_space<vmem_shared>> -> memref<128x16xf32, #tpu.memory_space<vmem_shared>>
      tpu.enqueue_dma source(%arg5 : memref<128x16xf32, #tpu.memory_space<vmem>>) target(%dma_start3A_45 : memref<128x16xf32, #tpu.memory_space<vmem_shared>>) target_semaphore(%run_scoped3A : memref<!tpu.dma_semaphore, #tpu.memory_space<semaphore_mem>>)
      %dma_wait3A = arith.constant 0 : i32
      %dma_wait3A_46 = tpu.memref_slice %arg6[%add3A_17, %dma_wait3A] : memref<10240x16xf32, #tpu.memory_space<vmem_shared>> -> memref<128x16xf32, #tpu.memory_space<vmem_shared>>
      %dma_wait3A_47 = arith.constant 0 : i32
      %dma_wait3A_48 = tpu.memref_slice %arg6[%add3A_17, %dma_wait3A_47] : memref<10240x16xf32, #tpu.memory_space<vmem_shared>> -> memref<128x16xf32, #tpu.memory_space<vmem_shared>>
      tpu.wait_dma2 semaphore(%run_scoped3A : memref<!tpu.dma_semaphore, #tpu.memory_space<semaphore_mem>>) src(%arg5 : memref<128x16xf32, #tpu.memory_space<vmem>>) dst(%dma_wait3A_48 : memref<128x16xf32, #tpu.memory_space<vmem_shared>>)
      tpu.yield
    }) : () -> ()
    %mul3A_18 = arith.constant 640 : i32
    %mul3A_19 = arith.muli %arg1, %mul3A_18 : i32
    %add3A_20 = arith.constant 384 : i32
    %add3A_21 = arith.addi %mul3A_19, %add3A_20 : i32
    "tpu.region"() ({
      %run_scoped3A = tpu.sem_alloc : memref<!tpu.dma_semaphore, #tpu.memory_space<semaphore_mem>>
      %dma_start3A = arith.constant 0 : i32
      %dma_start3A_43 = tpu.memref_slice %arg6[%add3A_21, %dma_start3A] : memref<10240x16xf32, #tpu.memory_space<vmem_shared>> -> memref<128x16xf32, #tpu.memory_space<vmem_shared>>
      %dma_start3A_44 = arith.constant 0 : i32
      %dma_start3A_45 = tpu.memref_slice %arg6[%add3A_21, %dma_start3A_44] : memref<10240x16xf32, #tpu.memory_space<vmem_shared>> -> memref<128x16xf32, #tpu.memory_space<vmem_shared>>
      tpu.enqueue_dma source(%arg5 : memref<128x16xf32, #tpu.memory_space<vmem>>) target(%dma_start3A_45 : memref<128x16xf32, #tpu.memory_space<vmem_shared>>) target_semaphore(%run_scoped3A : memref<!tpu.dma_semaphore, #tpu.memory_space<semaphore_mem>>)
      %dma_wait3A = arith.constant 0 : i32
      %dma_wait3A_46 = tpu.memref_slice %arg6[%add3A_21, %dma_wait3A] : memref<10240x16xf32, #tpu.memory_space<vmem_shared>> -> memref<128x16xf32, #tpu.memory_space<vmem_shared>>
      %dma_wait3A_47 = arith.constant 0 : i32
      %dma_wait3A_48 = tpu.memref_slice %arg6[%add3A_21, %dma_wait3A_47] : memref<10240x16xf32, #tpu.memory_space<vmem_shared>> -> memref<128x16xf32, #tpu.memory_space<vmem_shared>>
      tpu.wait_dma2 semaphore(%run_scoped3A : memref<!tpu.dma_semaphore, #tpu.memory_space<semaphore_mem>>) src(%arg5 : memref<128x16xf32, #tpu.memory_space<vmem>>) dst(%dma_wait3A_48 : memref<128x16xf32, #tpu.memory_space<vmem_shared>>)
      tpu.yield
    }) : () -> ()
    %mul3A_22 = arith.constant 640 : i32
    %mul3A_23 = arith.muli %arg1, %mul3A_22 : i32
    %add3A_24 = arith.constant 512 : i32
    %add3A_25 = arith.addi %mul3A_23, %add3A_24 : i32
    "tpu.region"() ({
      %run_scoped3A = tpu.sem_alloc : memref<!tpu.dma_semaphore, #tpu.memory_space<semaphore_mem>>
      %dma_start3A = arith.constant 0 : i32
      %dma_start3A_43 = tpu.memref_slice %arg6[%add3A_25, %dma_start3A] : memref<10240x16xf32, #tpu.memory_space<vmem_shared>> -> memref<128x16xf32, #tpu.memory_space<vmem_shared>>
      %dma_start3A_44 = arith.constant 0 : i32
      %dma_start3A_45 = tpu.memref_slice %arg6[%add3A_25, %dma_start3A_44] : memref<10240x16xf32, #tpu.memory_space<vmem_shared>> -> memref<128x16xf32, #tpu.memory_space<vmem_shared>>
      tpu.enqueue_dma source(%arg5 : memref<128x16xf32, #tpu.memory_space<vmem>>) target(%dma_start3A_45 : memref<128x16xf32, #tpu.memory_space<vmem_shared>>) target_semaphore(%run_scoped3A : memref<!tpu.dma_semaphore, #tpu.memory_space<semaphore_mem>>)
      %dma_wait3A = arith.constant 0 : i32
      %dma_wait3A_46 = tpu.memref_slice %arg6[%add3A_25, %dma_wait3A] : memref<10240x16xf32, #tpu.memory_space<vmem_shared>> -> memref<128x16xf32, #tpu.memory_space<vmem_shared>>
      %dma_wait3A_47 = arith.constant 0 : i32
      %dma_wait3A_48 = tpu.memref_slice %arg6[%add3A_25, %dma_wait3A_47] : memref<10240x16xf32, #tpu.memory_space<vmem_shared>> -> memref<128x16xf32, #tpu.memory_space<vmem_shared>>
      tpu.wait_dma2 semaphore(%run_scoped3A : memref<!tpu.dma_semaphore, #tpu.memory_space<semaphore_mem>>) src(%arg5 : memref<128x16xf32, #tpu.memory_space<vmem>>) dst(%dma_wait3A_48 : memref<128x16xf32, #tpu.memory_space<vmem_shared>>)
      tpu.yield
    }) : () -> ()
    %scan3A_26 = arith.constant 0 : i32
    %scan3A_27 = arith.constant 0 : i32
    %scan3A_28 = arith.constant 128 : i32
    %scan3A_29 = arith.addi %scan3A_27, %scan3A_28 : i32
    %scan3A_30 = arith.constant 1 : i32
    scf.for %scan3A_43 = %scan3A_27 to %scan3A_29 step %scan3A_30  : i32 {
      %swap3A = arith.index_cast %scan3A_43 : i32 to index
      %swap3A_44 = arith.constant 0 : index
      %swap3A_45 = tpu.vector_load %arg5[%swap3A, %swap3A_44] {strides = array<i32>} : memref<128x16xf32, #tpu.memory_space<vmem>>, vector<1x16xf32>,
      %swap3A_46 = vector.shape_cast %swap3A_45 : vector<1x16xf32> to vector<16xf32>
      %swap3A_47 = vector.shape_cast %broadcast_in_dim3A_2 : vector<16xf32> to vector<1x16xf32>
      tpu.vector_store %arg5[%swap3A, %swap3A_44], %swap3A_47 {strides = array<i32>} : memref<128x16xf32, #tpu.memory_space<vmem>>, vector<1x16xf32>,
    }
    %scan3A_31 = arith.constant 128 : i32
    %mul3A_32 = arith.constant 160 : i32
    %mul3A_33 = arith.muli %arg1, %mul3A_32 : i32
    "tpu.region"() ({
      %run_scoped3A = tpu.sem_alloc : memref<!tpu.dma_semaphore, #tpu.memory_space<semaphore_mem>>
      %dma_start3A = arith.constant 0 : i32
      %dma_start3A_43 = tpu.memref_slice %arg2[%mul3A_33, %dma_start3A] : memref<2560x128xi32, #tpu.memory_space<hbm>> -> memref<160x128xi32, #tpu.memory_space<hbm>>
      %dma_start3A_44 = arith.constant 0 : i32
      %dma_start3A_45 = tpu.memref_slice %arg2[%mul3A_33, %dma_start3A_44] : memref<2560x128xi32, #tpu.memory_space<hbm>> -> memref<160x128xi32, #tpu.memory_space<hbm>>
      tpu.enqueue_dma source(%dma_start3A_45 : memref<160x128xi32, #tpu.memory_space<hbm>>) target(%arg4 : memref<160x128xi32, #tpu.memory_space<vmem>>) target_semaphore(%run_scoped3A : memref<!tpu.dma_semaphore, #tpu.memory_space<semaphore_mem>>)
      %dma_wait3A = arith.constant 0 : i32
      %dma_wait3A_46 = tpu.memref_slice %arg2[%mul3A_33, %dma_wait3A] : memref<2560x128xi32, #tpu.memory_space<hbm>> -> memref<160x128xi32, #tpu.memory_space<hbm>>
      %dma_wait3A_47 = arith.constant 0 : i32
      %dma_wait3A_48 = tpu.memref_slice %arg2[%mul3A_33, %dma_wait3A_47] : memref<2560x128xi32, #tpu.memory_space<hbm>> -> memref<160x128xi32, #tpu.memory_space<hbm>>
      tpu.wait_dma2 semaphore(%run_scoped3A : memref<!tpu.dma_semaphore, #tpu.memory_space<semaphore_mem>>) src(%dma_wait3A_48 : memref<160x128xi32, #tpu.memory_space<hbm>>) dst(%arg4 : memref<160x128xi32, #tpu.memory_space<vmem>>)
      tpu.yield
    }) : () -> ()
    %barrier3A = arith.constant 0 : index
    tpu.barrier barrier_id(%barrier3A)
    %scan3A_34 = arith.constant 0 : i32
    %scan3A_35 = arith.constant 0 : i32
    %scan3A_36 = arith.constant 160 : i32
    %scan3A_37 = arith.addi %scan3A_35, %scan3A_36 : i32
    %scan3A_38 = arith.constant 1 : i32
    scf.for %scan3A_43 = %scan3A_35 to %scan3A_37 step %scan3A_38  : i32 {
      "tpu.region"() ({
        %run_scoped3A = tpu.sem_alloc : memref<!tpu.dma_semaphore, #tpu.memory_space<semaphore_mem>>
        %dma_start3A = arith.constant 0 : i32
        %dma_start3A_44 = tpu.memref_slice %arg4[%scan3A_43, %dma_start3A] : memref<160x128xi32, #tpu.memory_space<vmem>> -> memref<1x128xi32, #tpu.memory_space<vmem>>
        %dma_start3A_45 = tpu.memref_squeeze %dma_start3A_44 : memref<1x128xi32, #tpu.memory_space<vmem>> -> memref<128xi32, #tpu.memory_space<vmem>>
        %dma_start3A_46 = arith.constant 0 : i32
        %dma_start3A_47 = arith.constant 0 : i32
        %dma_start3A_48 = tpu.memref_slice %arg6[%dma_start3A_46, %dma_start3A_47] : memref<10240x16xf32, #tpu.memory_space<vmem_shared>> -> memref<10240x16xf32, #tpu.memory_space<vmem_shared>>
        tpu.enqueue_indirect_dma source(%arg5 : memref<128x16xf32, #tpu.memory_space<vmem>>) target(%dma_start3A_48 : memref<10240x16xf32, #tpu.memory_space<vmem_shared>>) offsets(%dma_start3A_45 : memref<128xi32, #tpu.memory_space<vmem>>) semaphore(%run_scoped3A : memref<!tpu.dma_semaphore, #tpu.memory_space<semaphore_mem>>) {add = true}
        %dma_wait3A = arith.constant 0 : i32
        %dma_wait3A_49 = tpu.memref_slice %arg4[%scan3A_43, %dma_wait3A] : memref<160x128xi32, #tpu.memory_space<vmem>> -> memref<1x128xi32, #tpu.memory_space<vmem>>
        %dma_wait3A_50 = tpu.memref_squeeze %dma_wait3A_49 : memref<1x128xi32, #tpu.memory_space<vmem>> -> memref<128xi32, #tpu.memory_space<vmem>>
        %dma_wait3A_51 = arith.constant 0 : i32
        %dma_wait3A_52 = arith.constant 0 : i32
        %dma_wait3A_53 = tpu.memref_slice %arg6[%dma_wait3A_51, %dma_wait3A_52] : memref<10240x16xf32, #tpu.memory_space<vmem_shared>> -> memref<10240x16xf32, #tpu.memory_space<vmem_shared>>
        tpu.wait_indirect_dma semaphore(%run_scoped3A : memref<!tpu.dma_semaphore, #tpu.memory_space<semaphore_mem>>) src(%arg5 : memref<128x16xf32, #tpu.memory_space<vmem>>) dst(%dma_wait3A_53 : memref<10240x16xf32, #tpu.memory_space<vmem_shared>>)
        tpu.yield
      }) : () -> ()
    }
    %scan3A_39 = arith.constant 160 : i32
    %barrier3A_40 = arith.constant 0 : index
    tpu.barrier barrier_id(%barrier3A_40)
    %eq3A = arith.constant 0 : i32
    %eq3A_41 = arith.cmpi eq, %arg0, %eq3A : i32
    %convert_element_type3A = arith.extui %eq3A_41 : i1 to i32
    %cond3A = arith.constant 0 : i32
    %cond3A_42 = arith.cmpi ne, %convert_element_type3A, %cond3A : i32
    scf.if %cond3A_42 {
      %mul3A_43 = arith.constant 640 : i32
      %mul3A_44 = arith.muli %arg1, %mul3A_43 : i32
      %mul3A_45 = arith.constant 640 : i32
      %mul3A_46 = arith.muli %arg1, %mul3A_45 : i32
      "tpu.region"() ({
        %run_scoped3A = tpu.sem_alloc : memref<!tpu.dma_semaphore, #tpu.memory_space<semaphore_mem>>
        %dma_start3A = arith.constant 0 : i32
        %dma_start3A_47 = tpu.memref_slice %arg3[%mul3A_46, %dma_start3A] : memref<10240x16xf32, #tpu.memory_space<hbm>> -> memref<640x16xf32, #tpu.memory_space<hbm>>
        %dma_start3A_48 = arith.constant 0 : i32
        %dma_start3A_49 = tpu.memref_slice %arg6[%mul3A_44, %dma_start3A_48] : memref<10240x16xf32, #tpu.memory_space<vmem_shared>> -> memref<640x16xf32, #tpu.memory_space<vmem_shared>>
        tpu.enqueue_dma source(%dma_start3A_49 : memref<640x16xf32, #tpu.memory_space<vmem_shared>>) target(%dma_start3A_47 : memref<640x16xf32, #tpu.memory_space<hbm>>) target_semaphore(%run_scoped3A : memref<!tpu.dma_semaphore, #tpu.memory_space<semaphore_mem>>)
        %dma_wait3A = arith.constant 0 : i32
        %dma_wait3A_50 = tpu.memref_slice %arg3[%mul3A_46, %dma_wait3A] : memref<10240x16xf32, #tpu.memory_space<hbm>> -> memref<640x16xf32, #tpu.memory_space<hbm>>
        %dma_wait3A_51 = arith.constant 0 : i32
        %dma_wait3A_52 = tpu.memref_slice %arg6[%mul3A_44, %dma_wait3A_51] : memref<10240x16xf32, #tpu.memory_space<vmem_shared>> -> memref<640x16xf32, #tpu.memory_space<vmem_shared>>
        tpu.wait_dma2 semaphore(%run_scoped3A : memref<!tpu.dma_semaphore, #tpu.memory_space<semaphore_mem>>) src(%dma_wait3A_52 : memref<640x16xf32, #tpu.memory_space<vmem_shared>>) dst(%dma_wait3A_50 : memref<640x16xf32, #tpu.memory_space<hbm>>)
        tpu.yield
      }) : () -> ()
    } else {
    }
    return
  }
}

</mosaic_0001>

<sc_bundles>
// kernel: _deg_call.3.cloned.1.call-start
scs
__scs_entry_jumppad:
0x0: {  	(pc) =	sbr.rel $0x88, $3  }
0x1: {  	(tag) =	ssettag $0x0;
	lr =	simm.s32 $0x1  }
0x2: {  	[smem:$0x3FA0] =	sst lr;
	_ =	strace $0xD0000000  }
0x3: {  	_ = 	snop  }
0x4: {  	_ = 	snop  }
0x5: {  	_ = 	snop  }
0x6: {  	_ = 	snop  }
0x7: {  	_ = 	snop  }
__scs_overlays_trampoline_lowered:
0x8: {  	[smem:$0x3FAF] =	sst s0  }
0x9: {  	[smem:$0x3FB0] =	sst s1  }
0xa: {  	[smem:$0x3FB1] =	sst s2  }
0xb: {  	[smem:$0x3FB2] =	sst s3  }
0xc: {  	[smem:$0x3FB3] =	sst s4  }
0xd: {  	[smem:$0x3FB4] =	sst s5  }
0xe: {  	[smem:$0x3FB5] =	sst s6  }
0xf: {  	[smem:$0x3FB6] =	sst s7  }
0x10: {  	[smem:$0x3FB7] =	sst s8  }
0x11: {  	[smem:$0x3FB8] =	sst s9;
	s0 =	simm.s32 @!p0 $0x0  }
0x12: {  	s1 =	sld [smem:$0x3F9E];
	s0 =	simm.s32 @p0 $0x1  }
0x13: {  	[smem:$0x3FB9] =	sst s0;
	s0 =	simm.s32 @!p1 $0x0  }
0x14: {  	s2 =	sld [smem:$0x3F9D];
	s0 =	simm.s32 @p1 $0x1  }
0x15: {  	[smem:$0x3FBA] =	sst s0;
	s0 =	simm.s32 @!p2 $0x0  }
0x16: {  	s3 =	sld [smem:$0x3FDB];
	s0 =	simm.s32 @p2 $0x1  }
0x17: {  	s4 =	simm.s32 $0x1BF5;
	[smem:$0x3FBC] =	sst s0  }
0x18: {  	s0 =	sld [smem:$0x3F9F];
	_ =	swait.ge [sflag:s4], $0x0  }
0x19: {  	s7 =	sld [smem:$0x3FA0]  }
0x1a: {  	s8 =	sadd.s32 $0xFFFFE003, lr  }
0x1b: {  	s9 =	sadd.s32 $0xFFFFFEF7, lr;
	s5 =	simm.s32 $0xFFFFFFFF;
	p2 =	slt.u32 s8, $0xFFFFF086  }
0x1c: {  	p1 =	slt.u32 s9, $0xF7A;
	s5 =	simm.s32 @!p2 $0x0  }
0x1d: {  	s5 =	simm.s32 @p1 $0x1;
	p0 =	seq.s32 s7, s2  }
0x1e: {  	s7 =	smul.u32 @!p0 $0xF7A, s2;
	p2 =	seq.s32 @!p0 s5, $0x0  }
0x1f: {  	s9 =	smul.u32 $0xF7A, s1;
	s8 =	simm.s32 @!p0 $0x1BF5;
	p2 =	por !p2, p0  }
0x20: {  	[sflag:s8] =	ssyncset.s32 @!p0 $0xFFFFF086;
	s6 =	sadd.s32 @!p0 s3, s7;
	s7 =	simm.s32 @!p0 $0x108  }
0x21: {  	s3 =	sadd.s32 s3, s9;
	s6 =	sadd.s32 @!p0 $0x88, s6;
	s7 =	simm.s32 @p2 $0x1082  }
0x22: {  	[simem:s7], [sflag:s8] =	dma.local @!p0 [hbm:s6], $0xF7A  }
0x23: {  	s9 =	sor.u32 $0xD0000000, s2;
	s6 =	simm.s32 $0x108;
	_ =	swait.ge @!p0 [sflag:s8], $0x0  }
0x24: {  	s3 =	sadd.s32 $0x88, s3;
	s6 =	simm.s32 @!p1 $0x1082;
	[sflag:s4] =	ssyncset.s32 $0xFFFFF086  }
0x25: {  	[simem:s6], [sflag:s4] =	dma.local [hbm:s3], $0xF7A  }
0x26: {  	[smem:$0x3FA0] =	sst s1;
	(tag) =	ssettag s2;
	_ =	strace s9  }
0x27: {  	s1 =	sld [smem:$0x3FB0]  }
0x28: {  	s2 =	sld [smem:$0x3FB1]  }
0x29: {  	s4 =	sld [smem:$0x3FB3]  }
0x2a: {  	p0 =	seq.s32 s5, $0x0;
	s5 =	sld [smem:$0x3FB4]  }
0x2b: {  	s6 =	sld [smem:$0x3FB5]  }
0x2c: {  	s7 =	sld [smem:$0x3FB6]  }
0x2d: {  	s3 =	simm.s32 $0x108;
	s8 =	sld [smem:$0x3FB7]  }
0x2e: {  	s3 =	simm.s32 @!p0 $0x1082;
	s9 =	sld [smem:$0x3FB8]  }
0x2f: {  	lr =	sadd.s32 s0, s3;
	s0 =	sld [smem:$0x3FAF]  }
0x30: {  	s3 =	sld [smem:$0x3FB2]  }
0x31: {  	[smem:$0x3FBB] =	sst s10  }
0x32: {  	s10 =	sld [smem:$0x3FB9];
	_ =	sdelay $0x3  }
0x33: {  	p0 =	seq.s32 s10, $0x1;
	s10 =	sld [smem:$0x3FBB];
	_ =	sdelay $0x3  }
0x34: {  	[smem:$0x3FBB] =	sst s10  }
0x35: {  	s10 =	sld [smem:$0x3FBA];
	_ =	sdelay $0x3  }
0x36: {  	p1 =	seq.s32 s10, $0x1;
	s10 =	sld [smem:$0x3FBB];
	_ =	sdelay $0x3  }
0x37: {  	[smem:$0x3FBB] =	sst s10  }
0x38: {  	s10 =	sld [smem:$0x3FBC]  }
0x39: {  	_ = 	snop;
	(pc) =	sbr.ind lr, $3  }
0x3a: {  	_ = 	snop  }
0x3b: {  	_ = 	snop  }
0x3c: {  	p2 =	seq.s32 s10, $0x1;
	s10 =	sld [smem:$0x3FBB]  }
0x3d: {  	_ =	shalt  }
0x3e: {  	_ =	shalt  }
0x3f: {  	_ =	shalt  }
0x40: {  	_ =	shalt  }
0x41: {  	_ =	shalt  }
0x42: {  	_ =	shalt  }
0x43: {  	_ =	shalt  }
0x44: {  	_ =	shalt  }
0x45: {  	_ =	shalt  }
0x46: {  	_ =	shalt  }
0x47: {  	_ =	shalt  }
0x48: {  	_ =	shalt  }
0x49: {  	_ =	shalt  }
0x4a: {  	_ =	shalt  }
0x4b: {  	_ =	shalt  }
0x4c: {  	_ =	shalt  }
0x4d: {  	_ =	shalt  }
0x4e: {  	_ =	shalt  }
0x4f: {  	_ =	shalt  }
0x50: {  	_ =	shalt  }
0x51: {  	_ =	shalt  }
0x52: {  	_ =	shalt  }
0x53: {  	_ =	shalt  }
0x54: {  	_ =	shalt  }
0x55: {  	_ =	shalt  }
0x56: {  	_ =	shalt  }
0x57: {  	_ =	shalt  }
0x58: {  	_ =	shalt  }
0x59: {  	_ =	shalt  }
0x5a: {  	_ =	shalt  }
0x5b: {  	_ =	shalt  }
0x5c: {  	_ =	shalt  }
0x5d: {  	_ =	shalt  }
0x5e: {  	_ =	shalt  }
0x5f: {  	_ =	shalt  }
0x60: {  	_ =	shalt  }
0x61: {  	_ =	shalt  }
0x62: {  	_ =	shalt  }
0x63: {  	_ =	shalt  }
0x64: {  	_ =	shalt  }
0x65: {  	_ =	shalt  }
0x66: {  	_ =	shalt  }
0x67: {  	_ =	shalt  }
0x68: {  	_ =	shalt  }
0x69: {  	_ =	shalt  }
0x6a: {  	_ =	shalt  }
0x6b: {  	_ =	shalt  }
0x6c: {  	_ =	shalt  }
0x6d: {  	_ =	shalt  }
0x6e: {  	_ =	shalt  }
0x6f: {  	_ =	shalt  }
0x70: {  	_ =	shalt  }
0x71: {  	_ =	shalt  }
0x72: {  	_ =	shalt  }
0x73: {  	_ =	shalt  }
0x74: {  	_ =	shalt  }
0x75: {  	_ =	shalt  }
0x76: {  	_ =	shalt  }
0x77: {  	_ =	shalt  }
0x78: {  	_ =	shalt  }
0x79: {  	_ =	shalt  }
0x7a: {  	_ =	shalt  }
0x7b: {  	_ =	shalt  }
0x7c: {  	_ =	shalt  }
0x7d: {  	_ =	shalt  }
0x7e: {  	_ =	shalt  }
0x7f: {  	_ =	shalt  }
0x80: {  	_ =	shalt  }
0x81: {  	_ =	shalt  }
0x82: {  	_ =	shalt  }
0x83: {  	_ =	shalt  }
0x84: {  	_ =	shalt  }
0x85: {  	_ =	shalt  }
0x86: {  	_ =	shalt  }
0x87: {  	_ =	shalt  }
.Lfunc_end0:
.L_simem_size_0:
called_computation_lowered:
.L_overlay_start_0:
0x88: {  	s2 =	sld [smem:$0x3FD9]  }
0x89: {  	s3 =	sld [smem:$0x3FFE];
	_ =	sdelay $0x1  }
0x8a: {  	s1 =	srdreg.scid  }
0x8b: {  	s0 =	sand.u32 $0x1, s1  }
0x8c: {  	s17 =	sshll.u32 s0, $0xA;
	s2 =	sadd.s32 s3, s2  }
0x8d: {  	s2 =	sadd.s32 s2, s17  }
0x8e: {  	[smem:$0x3FC7] =	sst s2  }
0x8f: {  	_ = 	snop  }
0x90: {  	s2 =	sld [smem:$0x3FC9];
	(tm) =	ssettm $0x1  }
0x91: {  	s18 =	sld [smem:$0x3FFB];
	_ =	sdelay $0x3  }
0x92: {  	_ =	strace s18  }
0x93: {  	s3 =	sld [smem:$0x3FFC];
	_ =	sdelay $0x3  }
0x94: {  	_ =	strace s3  }
0x95: {  	s3 =	sld [smem:$0x3FFD];
	_ =	sdelay $0x3  }
0x96: {  	_ =	strace s3  }
0x97: {  	_ =	strace $0x8FFFFFFF  }
0x98: {  	s19 =	sld [smem:$0x3FDB];
	_ =	sdelay $0x1  }
0x99: {  	s4 =	simm.s32 $_scs_section_size  }
0x9a: {  	s5 =	simm.s32 $_size__tile_overlayer_lowered;
	s6 =	simm.s32 $_tile_overlayer_lowered  }
0x9b: {  	s22 =	simm.s32 $0x1BFF;
	s21 =	sshll.u32 s6, $0x1;
	s3 =	sadd.s32 s4, s19  }
0x9c: {  	s7 =	simm.s32 $0x0;
	s20 =	sshll.u32 s5, $0x1;
	s5 =	sadd.s32 s21, s3  }
0x9d: {  	[timem:s7], [sflag:s22] =	dma.local [hbm:s5], s20  }
0x9e: {  	_ =	swait.ge [sflag:s22], s20  }
0x9f: {  	s4 =	ssub.s32 $0x0, s20;
	[sflag:s22] =	ssyncset.done $0x0  }
0xa0: {  	[sflag:s22] =	ssyncadd.s32 s4;
	_ =	sdelay $0x1  }
0xa1: {  	s23 =	simm.s32 $0x1B8B  }
0xa2: {  	_ =	swait.ge [sflag:s23], $0x1  }
0xa3: {  	[sflag:s23] =	ssyncset.done $0x0  }
0xa4: {  	s25 =	simm.s32 $0x1B8E;
	s24 =	sld [smem:$0x3FFE];
	[sflag:s23] =	ssyncadd.s32 $0xFFFFFFFF  }
0xa5: {  	s26 =	simm.s32 $execute0_lowered;
	[smem:$0x3FD2] =	sst s25  }
0xa6: {  	s5 =	sshll.u32 s26, $0x1;
	_ =	strace $0x80000046;
	[dreg:$0x1] =	wrdreg $0xFFFFFFFF  }
0xa7: {  	s28 =	simm.s32 $_size_execute0_lowered;
	s3 =	sadd.s32 s3, s5;
	[dreg:$0x0] =	wrdreg $0x0  }
0xa8: {  	s5 =	sshll.u32 s28, $0x1;
	[dreg:$0x2] =	wrdreg s3  }
0xa9: {  	[dreg:$0x3] =	wrdreg s5  }
0xaa: {  	[dreg:$0x4] =	wrdreg $0xC0  }
0xab: {  	_ =	task [dreg:s7], $0x5FFFF  }
0xac: {  	[dreg:$0x1] =	wrdreg $0xFFFFFFFF  }
0xad: {  	[dreg:$0x0] =	wrdreg $0x60  }
0xae: {  	[dreg:$0x2] =	wrdreg s2  }
0xaf: {  	[dreg:$0x3] =	wrdreg s24  }
0xb0: {  	[dreg:$0x4] =	wrdreg $0x90000  }
0xb1: {  	[dreg:$0x5] =	wrdreg $0x9  }
0xb2: {  	_ =	task.clear_ibuf [dreg:s7], $0x6FFFF;
	_ =	strace $0x90000046  }
0xb3: {  	s29 =	simm.s32 $0x9;
	_ =	strace $0x80000048  }
0xb4: {  	_ =	swait.ge [sflag:s29], $0x1  }
0xb5: {  	[sflag:s29] =	ssyncadd.s32 $0xFFFFFFFF  }
0xb6: {  	_ =	strace $0x90000048  }
0xb7: {  	_ =	sfence  }
0xb8: {  	s30 =	sld [smem:$0x0];
	_ =	sdelay $0x2  }
0xb9: {  	s31 =	sshll.u32 s1, $0xD;
	s1 =	sshrl.u32 s1, $0x2  }
0xba: {  	s3 =	sand.u32 $0x4000, s31;
	s1 =	sadd.s32 s1, s30  }
0xbb: {  	s0 =	sor.u32 s3, s0;
	s1 =	sshll.u32 s1, $0x11  }
0xbc: {  	s0 =	sor.u32 s1, s0  }
0xbd: {  	s0 =	sadd.s32 $0x8F2B, s0  }
0xbe: {  	[sflag:s0] =	ssyncadd.remote.s32 $0x1  }
0xbf: {  	_ =	sfence.sel $0xFFFF  }
0xc0: {  	[dreg:$0x0] =	wrdreg $0xFFFFFFFF;
	(pc) =	sbr.abs _section_cstart, $3  }
0xc1: {  	[dreg:$0x1] =	wrdreg $0xFFFFFFFF  }
0xc2: {  	_ =	task.clear_ibuf [dreg:s7], $0x2FFFF;
	_ =	strace $0x9FFFFFFF  }
0xc3: {  	(tm) =	ssettm $0x7FFFFFFF  }
tec
execute0_lowered:
.L_overlay_start_1:
0x0: {  	(tag) =	ssettag $0x1  }
0x1: {  	s9 =	rddreg [dreg:$0x0]  }
0x2: {  	s4 =	rddreg [dreg:$0x1]  }
0x3: {  	s2 =	rddreg [dreg:$0x2]  }
0x4: {  	s0 =	rddreg [dreg:$0x3];
	s3 =	simm.s32 $0x0;
	s1 =	stileid.u32  }
0x5: {  	s6 =	srdreg.scid;
	s14 =	simm.s32 $0x80;
	s5 =	smul.u32 $0x2800, s1  }
0x6: {  	[smem:$0x7FF] =	sst s3;
	s7 =	smul.u32 $0x50000, s1;
	s12 =	sand.u32 $0x1, s6  }
0x7: {  	s11 =	smul.u32 $0xA00, s1;
	_ =	strace $0x80000047;
	s29 =	ssub.s32 $0x2, s12  }
0x8: {  	p0 =	sne.s32 s12, $0x0;
	s12 =	simm.s32 $0x5000;
	s10 =	sadd.s32 s5, s4  }
0x9: {  	s30 =	sshrl.u32 s7, $0x2;
	s31 =	sshrl.u32 s29, $0x1;
	s9 =	sadd.s32 s9, s11  }
0xa: {  	s15 =	sshll.u32 @!p0 s1, $0x6;
	s4 =	sadd.s32 s30, s2;
	s13 =	ssub.s32 s29, s31  }
0xb: {  	s10 =	sadd.s32 $0x400, s10;
	s15 =	sor.u32 @!p0 $0x1C01, s15;
	s5 =	sadd.s32 $0x4000, s4  }
0xc: {  	s6 =	sadd.s32 $0x8000, s4;
	s7 =	sadd.s32 $0xC000, s4;
	s8 =	sadd.s32 $0x10000, s4  }
0xd: {  	v0 =	vimm.f32 $0.0e+00;
	v1 =	vimm.f32 $1.000000000e+00;
	s11 =	smax.u32 s13, $0x1;
	s13 =	simm.s32 $0x1;
	s16 =	sshrl.u32 @!p0 s4, $0x3  }
.LBB2_1:
0xe: {  	s17 =	simm.s32 $0x200;
	s18 =	simm.s32 $0x0  }
.LBB2_2:
0xf: {  	p1 =	sne.s32 s17, $0xFE00;
	[tilespmem:s18+$0x5000] =	vst v0;
	s18 =	smov.u32 s17;
	s17 =	sadd.s32 $0x200, s17  }
.Ltmp0:
0x10: {  	(pc) =	sbr.rel @p1 .LBB2_2-.Ltmp0, $2  }
0x11: {  	_ =	sdelay $0x2  }
0x12: {  	s18 =	sshra.s32 s18, $0x2  }
0x13: {  	[tilespmem:s18+$0x5000] =	vst v0  }
0x14: {  	[spmem:s4] =	stream.linear.scatter [tilespmem:s12], [sflag:$0x1], $0x4000, $0x38;
	[tilespmem:$0xB800] =	vst v63  }
0x15: {  	_ =	swait.ge [sflag:s13], $0x4000  }
0x16: {  	[sflag:s13] =	ssyncset.done $0x0  }
0x17: {  	[sflag:s13] =	ssyncadd.s32 $0xFFFFC000  }
0x18: {  	[spmem:s5] =	stream.linear.scatter [tilespmem:s12], [sflag:$0x1], $0x4000, $0x38;
	[tilespmem:$0xB800] =	vst v63  }
0x19: {  	_ =	swait.ge [sflag:s13], $0x4000  }
0x1a: {  	[sflag:s13] =	ssyncset.done $0x0  }
0x1b: {  	[sflag:s13] =	ssyncadd.s32 $0xFFFFC000  }
0x1c: {  	[spmem:s6] =	stream.linear.scatter [tilespmem:s12], [sflag:$0x1], $0x4000, $0x38;
	[tilespmem:$0xB800] =	vst v63  }
0x1d: {  	_ =	swait.ge [sflag:s13], $0x4000  }
0x1e: {  	[sflag:s13] =	ssyncset.done $0x0  }
0x1f: {  	[sflag:s13] =	ssyncadd.s32 $0xFFFFC000  }
0x20: {  	[spmem:s7] =	stream.linear.scatter [tilespmem:s12], [sflag:$0x1], $0x4000, $0x38;
	[tilespmem:$0xB800] =	vst v63  }
0x21: {  	_ =	swait.ge [sflag:s13], $0x4000  }
0x22: {  	[sflag:s13] =	ssyncset.done $0x0  }
0x23: {  	[sflag:s13] =	ssyncadd.s32 $0xFFFFC000  }
0x24: {  	[spmem:s8] =	stream.linear.scatter [tilespmem:s12], [sflag:$0x1], $0x4000, $0x38;
	[tilespmem:$0xB800] =	vst v63  }
0x25: {  	_ =	swait.ge [sflag:s13], $0x4000  }
0x26: {  	[sflag:s13] =	ssyncset.done $0x0  }
0x27: {  	s17 =	simm.s32 $0x200;
	s18 =	simm.s32 $0x0;
	[sflag:s13] =	ssyncadd.s32 $0xFFFFC000  }
.LBB2_4:
0x28: {  	p1 =	sne.s32 s17, $0xFE00;
	[tilespmem:s18+$0x5000] =	vst v1;
	s18 =	smov.u32 s17;
	s17 =	sadd.s32 $0x200, s17  }
.Ltmp1:
0x29: {  	(pc) =	sbr.rel @p1 .LBB2_4-.Ltmp1, $2  }
0x2a: {  	_ =	sdelay $0x2  }
0x2b: {  	s18 =	sshra.s32 s18, $0x2  }
0x2c: {  	[tilespmem:s18+$0x5000] =	vst v1;
	s17 =	simm.s32 $0x0  }
0x2d: {  	[tilespmem:s17], [sflag:$0x1] =	stream.linear.gather [hbm4b:s9+s17], $0x5000, $0x38;
	[tilespmem:$0xB800] =	vst v63  }
0x2e: {  	_ =	swait.ge [sflag:s13], $0x5000  }
0x2f: {  	[sflag:s13] =	ssyncset.done $0x0  }
0x30: {  	[sflag:s13] =	ssyncadd.s32 $0xFFFFB000  }
0x31: {  	s31 =	simm.s32 $0x0;
	[bflag:$0x0] =	sbarrier.arrive $0xFFFF  }
0x32: {  	[spmem:s2] =	stream.indirect.scatter.add.f32 [tilespmem:s12], [sflag:$0x1], $0x10, s31, s14, $0xb8;
	[tilespmem:$0xB800] =	vst v63  }
0x33: {  	_ =	swait.ge [sflag:s13], $0x800  }
0x34: {  	s17 =	simm.s32 $0x200;
	[sflag:s13] =	ssyncset.done $0x0  }
.LBB2_6:
0x35: {  	s18 =	sshra.s32 s17, $0x2;
	[sflag:s13] =	ssyncadd.s32 $0xFFFFF800;
	p1 =	sne.s32 s17, $0x13E00  }
0x36: {  	[spmem:s2] =	stream.indirect.scatter.add.f32 [tilespmem:s12], [sflag:$0x1], $0x10, s18, s14, $0xb8;
	[tilespmem:$0xB800] =	vst v63  }
.Ltmp2:
0x37: {  	_ = 	snop;
	(pc) =	sbr.rel @p1 .LBB2_6-.Ltmp2, $4  }
0x38: {  	_ = 	snop  }
0x39: {  	s17 =	sadd.s32 $0x200, s17  }
0x3a: {  	_ =	swait.ge [sflag:s13], $0x800  }
0x3b: {  	[sflag:s13] =	ssyncset.done $0x0  }
0x3c: {  	s3 =	sadd.s32 $0x1, s3  }
0x3d: {  	[sflag:s13] =	ssyncadd.s32 $0xFFFFF800;
	p1 =	sne.s32 s3, s11  }
.Ltmp3:
0x3e: {  	s17 =	simm.s32 @!p0 $0x1;
	[bflag:$0x0] =	sbarrier.arrive $0xFFFF;
	(pc) =	sbr.rel @p1 .LBB2_1-.Ltmp3, $4  }
0x3f: {  	[hbm:s10], [sflag:s15] =	dma.local @!p0 [spmem:s16], $0x2800  }
0x40: {  	_ =	swait.ge @!p0 [sflag:s17], $0x2800  }
0x41: {  	[sflag:s17] =	ssyncset.done @!p0 $0x0  }
0x42: {  	[sflag:s17] =	ssyncadd.s32 @!p0 $0xFFFFD800  }
0x43: {  	_ =	sfence.sel $0x180000  }
0x44: {  	[bflag:$0x0] =	sbarrier.arrive $0xFFFF  }
0x45: {  	p0 =	sne.s32 s1, $0x0;
	_ =	strace $0x90000047  }
0x46: {  	s0 =	sadd.s32 @!p0 $0x100000, s0;
	[bflag:$0x2] =	sbarrier.arrive $0xFFFF  }
0x47: {  	[sflag:s0] =	ssyncadd.tile.s32 @!p0 $0x1;
	_ =	shalt  }
.Lfunc_end2:
_tile_overlayer_lowered:
.L_overlay_start_2:
0x48: {  	(tag) =	ssettag $0x2  }
0x49: {  	s0 =	rddreg [dreg:$0x0];
	s2 =	stileid.u32  }
0x4a: {  	s1 =	rddreg [dreg:$0x1];
	p0 =	sne.s32 s2, $0x0  }
0x4b: {  	s3 =	rddreg [dreg:$0x2];
	[bflag:$0x3] =	sbarrier.arrive $0xFFFF;
	s2 =	simm.s32 @!p0 $0x1C01  }
0x4c: {  	[timem:s3], [sflag:s2] =	dma.local @!p0 [hbm:s0], s1  }
0x4d: {  	s0 =	simm.s32 @!p0 $0x1  }
0x4e: {  	_ =	swait.ge @!p0 [sflag:s0], s1  }
0x4f: {  	s1 =	ssub.s32 @!p0 $0x0, s1;
	[sflag:s0] =	ssyncset.done @!p0 $0x0  }
0x50: {  	[sflag:s0] =	ssyncadd.s32 @!p0 s1  }
0x51: {  	[bflag:$0x3] =	sbarrier.arrive $0xFFFF  }
0x52: {  	_ =	shalt  }

</sc_bundles>
